<compile_context>
chip_gen: v7x
topology: tpu7x:2x2x1
jax: 0.10.2.dev20260603
libtpu: 0.0.44.dev20260713+nightly
codegen_flags: <defaults>
</compile_context>

<pallas_src>
import functools

import jax
import jax.numpy as jnp
from jax import lax
from jax.experimental import pallas as pl
from jax.experimental.pallas import tpu as pltpu
from jax.experimental.pallas import tpu_sc as plsc

_PATCH = 16
_H = 384
_W = 384
_B = 32
_NPTS = 240
_CHUNK = 192
_HALO = _PATCH - 1
_BUF_ROWS = _CHUNK + 2 * _HALO
_BUF = _BUF_ROWS * _W
_NC = 2
_NS = 16


def _sc_mask_body(base_hbm, mask_hbm, base_v, buf_v):
    wid = lax.axis_index("s") * _NC + lax.axis_index("c")
    pltpu.sync_copy(base_hbm.at[wid], base_v)
    lane = lax.iota(jnp.int32, 16)
    ones = jnp.ones((16,), jnp.float32)
    zeros = jnp.zeros((16,), jnp.float32)

    for chunk in range(_H // _CHUNK):
        r0 = chunk * _CHUNK
        lo = (r0 - _HALO) * _W
        hi = (r0 + _CHUNK) * _W

        def init_body(i, _):
            for u in range(8):
                buf_v[pl.ds(i * 128 + u * 16, 16)] = ones
            return 0
        lax.fori_loop(0, _BUF // 128, init_body, 0, unroll=False)

        def pt_body(j, _):
            base = base_v[j]
            valid = jnp.logical_and(base >= lo, base < hi)
            idx = base - lo + lane
            for dx in range(_PATCH):
                plsc.store_scatter(buf_v, [idx + dx * _W], zeros, mask=valid)
            return 0
        lax.fori_loop(0, _NPTS, pt_body, 0, unroll=False)

        pltpu.sync_copy(buf_v.at[pl.ds(_HALO * _W, _CHUNK * _W)],
                        mask_hbm.at[wid, pl.ds(r0 * _W, _CHUNK * _W)])


def _sc_masks(base3):
    mesh = plsc.VectorSubcoreMesh(core_axis_name="c", subcore_axis_name="s")
    return pl.kernel(
        _sc_mask_body,
        out_type=jax.ShapeDtypeStruct((_B, _H * _W), jnp.float32),
        mesh=mesh,
        scratch_types=[
            pltpu.VMEM((_NPTS, 16), jnp.int32),
            pltpu.VMEM((_BUF,), jnp.float32),
        ],
        compiler_params=pltpu.CompilerParams(needs_layout_passes=False),
    )(base3)


def _mul_body(mask_ref, img_ref, out_ref):
    out_ref[...] = img_ref[...] * mask_ref[...][:, None]


def _apply_mask(mask, imgs):
    b, c, h, w = imgs.shape
    return pl.pallas_call(
        _mul_body,
        grid=(b,),
        in_specs=[
            pl.BlockSpec((1, h, w), lambda i: (i, 0, 0)),
            pl.BlockSpec((1, c, h, w), lambda i: (i, 0, 0, 0)),
        ],
        out_specs=pl.BlockSpec((1, c, h, w), lambda i: (i, 0, 0, 0)),
        out_shape=jax.ShapeDtypeStruct(imgs.shape, imgs.dtype),
        compiler_params=pltpu.CompilerParams(
            dimension_semantics=("arbitrary",),
        ),
    )(mask, imgs)


@jax.jit
def kernel(imgs, points_x, points_y):
    b, _, h, w = imgs.shape
    n = points_x.shape[1]
    base = points_x * w + points_y
    base = jnp.pad(base, ((0, 0), (0, _NPTS - n)), constant_values=-(1 << 24))
    base3 = jnp.broadcast_to(base[:, :, None], (b, _NPTS, 16)).astype(jnp.int32)
    mask = _sc_masks(base3).reshape(b, h, w)
    return _apply_mask(mask, imgs)

# --- scband reference (transcript-rebuilt; emitter-appended) ---
"""Pipeline reference for scband-random-occlusions-7576322310611 (READ-ONLY COPY).

The authoritative reference and input builder live on the scoring server;
editing this copy changes nothing except your own understanding.
"""

import jax, jax.numpy as jnp
import numpy as np

PATCH = 16
MASKED_AREA = 0.4

def setup_inputs(seed: int = 0) -> dict:
    key = jax.random.key(seed)
    k1, k2, k3 = jax.random.split(key, 3)
    B, C, H, W = 32, 3, 384, 384
    imgs = jax.random.normal(k1, (B, C, H, W), dtype=jnp.float32)
    n_points = int(H * W * MASKED_AREA / PATCH ** 2)
    points_x = jax.random.randint(k2, (B, n_points), 0, H - PATCH + 1, dtype=jnp.int32)
    points_y = jax.random.randint(k3, (B, n_points), 0, W - PATCH + 1, dtype=jnp.int32)
    return {"imgs": imgs, "points_x": points_x, "points_y": points_y}

def reference(imgs, points_x, points_y):
    # Faithful translation of RandomOcclusions.forward: for each image in the
    # batch, zero out PATCH x PATCH squares whose top-left corners are given by
    # (points_x, points_y). The torch loop over (i, x, y) with fancy indexing
    # `imgs[i, :, px + x, py + y] = 0` is a scatter-overwrite of zeros across
    # all channels; we realize it as a per-batch binary mask (scatter .set(0))
    # applied multiplicatively, which is mathematically identical.
    B, C, H, W = imgs.shape
    offs = jnp.arange(PATCH)
    rows = points_x[:, :, None, None] + offs[None, None, :, None]   # [B, N, P, 1]
    cols = points_y[:, :, None, None] + offs[None, None, None, :]   # [B, N, 1, P]
    flat = (rows * W + cols).reshape(B, -1)                          # [B, N*P*P]

    def make_mask(f):
        return jnp.ones(H * W, dtype=imgs.dtype).at[f].set(0.0)

    mask = jax.vmap(make_mask)(flat).reshape(B, 1, H, W)
    return imgs * mask

if __name__ == "__main__":
    import jax
    _d = setup_inputs()
    print(jax.jit(kernel)(*tuple(_d.values())))

</pallas_src>

<mosaic_0001>
#map = affine_map<(d0, d1) -> (0, 0, 0)>
#map1 = affine_map<(d0, d1) -> (0, 0)>
module attributes {stable_mosaic.version = 14 : i64} {
  func.func @_sc_mask_body(%arg0: i32, %arg1: i32, %arg2: memref<32x240x16xi32, #tpu.memory_space<hbm>>, %arg3: memref<32x147456xf32, #tpu.memory_space<hbm>>, %arg4: memref<240x16xi32, #tpu.memory_space<vmem>>, %arg5: memref<85248xf32, #tpu.memory_space<vmem>>) attributes {dimension_semantics = [#tpu.dimension_semantics<core_parallel>, #tpu.dimension_semantics<subcore_parallel>], iteration_bounds = array<i64: 2, 16>, scalar_prefetch = 0 : i64, scratch_operands = 2 : i64, tpu.core_type = #tpu.core_type<sc_vector_subcore>, window_params = [{transform_indices = #map}, {transform_indices = #map1}]} {
    %mul3A = arith.constant 2 : i32
    %mul3A_0 = arith.muli %arg1, %mul3A : i32
    %add3A = arith.addi %mul3A_0, %arg0 : i32
    "tpu.region"() ({
      %run_scoped3A = tpu.sem_alloc : memref<!tpu.dma_semaphore, #tpu.memory_space<semaphore_mem>>
      %dma_start3A = arith.constant 0 : i32
      %dma_start3A_31 = arith.constant 0 : i32
      %dma_start3A_32 = tpu.memref_slice %arg2[%add3A, %dma_start3A, %dma_start3A_31] : memref<32x240x16xi32, #tpu.memory_space<hbm>> -> memref<1x240x16xi32, #tpu.memory_space<hbm>>
      %dma_start3A_33 = tpu.memref_squeeze %dma_start3A_32 : memref<1x240x16xi32, #tpu.memory_space<hbm>> -> memref<240x16xi32, #tpu.memory_space<hbm>>
      %dma_start3A_34 = arith.constant 0 : i32
      %dma_start3A_35 = arith.constant 0 : i32
      %dma_start3A_36 = tpu.memref_slice %arg2[%add3A, %dma_start3A_34, %dma_start3A_35] : memref<32x240x16xi32, #tpu.memory_space<hbm>> -> memref<1x240x16xi32, #tpu.memory_space<hbm>>
      %dma_start3A_37 = tpu.memref_squeeze %dma_start3A_36 : memref<1x240x16xi32, #tpu.memory_space<hbm>> -> memref<240x16xi32, #tpu.memory_space<hbm>>
      tpu.enqueue_dma source(%dma_start3A_37 : memref<240x16xi32, #tpu.memory_space<hbm>>) target(%arg4 : memref<240x16xi32, #tpu.memory_space<vmem>>) target_semaphore(%run_scoped3A : memref<!tpu.dma_semaphore, #tpu.memory_space<semaphore_mem>>)
      %dma_wait3A = arith.constant 0 : i32
      %dma_wait3A_38 = arith.constant 0 : i32
      %dma_wait3A_39 = tpu.memref_slice %arg2[%add3A, %dma_wait3A, %dma_wait3A_38] : memref<32x240x16xi32, #tpu.memory_space<hbm>> -> memref<1x240x16xi32, #tpu.memory_space<hbm>>
      %dma_wait3A_40 = tpu.memref_squeeze %dma_wait3A_39 : memref<1x240x16xi32, #tpu.memory_space<hbm>> -> memref<240x16xi32, #tpu.memory_space<hbm>>
      %dma_wait3A_41 = arith.constant 0 : i32
      %dma_wait3A_42 = arith.constant 0 : i32
      %dma_wait3A_43 = tpu.memref_slice %arg2[%add3A, %dma_wait3A_41, %dma_wait3A_42] : memref<32x240x16xi32, #tpu.memory_space<hbm>> -> memref<1x240x16xi32, #tpu.memory_space<hbm>>
      %dma_wait3A_44 = tpu.memref_squeeze %dma_wait3A_43 : memref<1x240x16xi32, #tpu.memory_space<hbm>> -> memref<240x16xi32, #tpu.memory_space<hbm>>
      tpu.wait_dma2 semaphore(%run_scoped3A : memref<!tpu.dma_semaphore, #tpu.memory_space<semaphore_mem>>) src(%dma_wait3A_44 : memref<240x16xi32, #tpu.memory_space<hbm>>) dst(%arg4 : memref<240x16xi32, #tpu.memory_space<vmem>>)
      tpu.yield
    }) : () -> ()
    %iota3A = tpu.iota {dimensions = array<i32: 0>} : vector<16xi32>
    %broadcast_in_dim3A = arith.constant 1.000000e+00 : f32
    %broadcast_in_dim3A_1 = vector.broadcast %broadcast_in_dim3A : f32 to vector<16xf32>
    %broadcast_in_dim3A_2 = arith.constant 0.000000e+00 : f32
    %broadcast_in_dim3A_3 = vector.broadcast %broadcast_in_dim3A_2 : f32 to vector<16xf32>
    %scan3A = arith.constant 0 : i32
    %scan3A_4 = arith.constant 0 : i32
    %scan3A_5 = arith.constant 666 : i32
    %scan3A_6 = arith.addi %scan3A_4, %scan3A_5 : i32
    %scan3A_7 = arith.constant 1 : i32
    %scan3A_8 = scf.for %scan3A_31 = %scan3A_4 to %scan3A_6 step %scan3A_7 iter_args(%scan3A_32 = %scan3A) -> (i32)  : i32 {
      %mul3A_33 = arith.constant 128 : i32
      %mul3A_34 = arith.muli %scan3A_31, %mul3A_33 : i32
      %add3A_35 = arith.constant 0 : i32
      %add3A_36 = arith.addi %mul3A_34, %add3A_35 : i32
      %swap3A = arith.index_cast %add3A_36 : i32 to index
      %swap3A_37 = tpu.vector_load %arg5[%swap3A] {strides = array<i32>} : memref<85248xf32, #tpu.memory_space<vmem>>, vector<16xf32>,
      tpu.vector_store %arg5[%swap3A], %broadcast_in_dim3A_1 {strides = array<i32>} : memref<85248xf32, #tpu.memory_space<vmem>>, vector<16xf32>,
      %mul3A_38 = arith.constant 128 : i32
      %mul3A_39 = arith.muli %scan3A_31, %mul3A_38 : i32
      %add3A_40 = arith.constant 16 : i32
      %add3A_41 = arith.addi %mul3A_39, %add3A_40 : i32
      %swap3A_42 = arith.index_cast %add3A_41 : i32 to index
      %swap3A_43 = tpu.vector_load %arg5[%swap3A_42] {strides = array<i32>} : memref<85248xf32, #tpu.memory_space<vmem>>, vector<16xf32>,
      tpu.vector_store %arg5[%swap3A_42], %broadcast_in_dim3A_1 {strides = array<i32>} : memref<85248xf32, #tpu.memory_space<vmem>>, vector<16xf32>,
      %mul3A_44 = arith.constant 128 : i32
      %mul3A_45 = arith.muli %scan3A_31, %mul3A_44 : i32
      %add3A_46 = arith.constant 32 : i32
      %add3A_47 = arith.addi %mul3A_45, %add3A_46 : i32
      %swap3A_48 = arith.index_cast %add3A_47 : i32 to index
      %swap3A_49 = tpu.vector_load %arg5[%swap3A_48] {strides = array<i32>} : memref<85248xf32, #tpu.memory_space<vmem>>, vector<16xf32>,
      tpu.vector_store %arg5[%swap3A_48], %broadcast_in_dim3A_1 {strides = array<i32>} : memref<85248xf32, #tpu.memory_space<vmem>>, vector<16xf32>,
      %mul3A_50 = arith.constant 128 : i32
      %mul3A_51 = arith.muli %scan3A_31, %mul3A_50 : i32
      %add3A_52 = arith.constant 48 : i32
      %add3A_53 = arith.addi %mul3A_51, %add3A_52 : i32
      %swap3A_54 = arith.index_cast %add3A_53 : i32 to index
      %swap3A_55 = tpu.vector_load %arg5[%swap3A_54] {strides = array<i32>} : memref<85248xf32, #tpu.memory_space<vmem>>, vector<16xf32>,
      tpu.vector_store %arg5[%swap3A_54], %broadcast_in_dim3A_1 {strides = array<i32>} : memref<85248xf32, #tpu.memory_space<vmem>>, vector<16xf32>,
      %mul3A_56 = arith.constant 128 : i32
      %mul3A_57 = arith.muli %scan3A_31, %mul3A_56 : i32
      %add3A_58 = arith.constant 64 : i32
      %add3A_59 = arith.addi %mul3A_57, %add3A_58 : i32
      %swap3A_60 = arith.index_cast %add3A_59 : i32 to index
      %swap3A_61 = tpu.vector_load %arg5[%swap3A_60] {strides = array<i32>} : memref<85248xf32, #tpu.memory_space<vmem>>, vector<16xf32>,
      tpu.vector_store %arg5[%swap3A_60], %broadcast_in_dim3A_1 {strides = array<i32>} : memref<85248xf32, #tpu.memory_space<vmem>>, vector<16xf32>,
      %mul3A_62 = arith.constant 128 : i32
      %mul3A_63 = arith.muli %scan3A_31, %mul3A_62 : i32
      %add3A_64 = arith.constant 80 : i32
      %add3A_65 = arith.addi %mul3A_63, %add3A_64 : i32
      %swap3A_66 = arith.index_cast %add3A_65 : i32 to index
      %swap3A_67 = tpu.vector_load %arg5[%swap3A_66] {strides = array<i32>} : memref<85248xf32, #tpu.memory_space<vmem>>, vector<16xf32>,
      tpu.vector_store %arg5[%swap3A_66], %broadcast_in_dim3A_1 {strides = array<i32>} : memref<85248xf32, #tpu.memory_space<vmem>>, vector<16xf32>,
      %mul3A_68 = arith.constant 128 : i32
      %mul3A_69 = arith.muli %scan3A_31, %mul3A_68 : i32
      %add3A_70 = arith.constant 96 : i32
      %add3A_71 = arith.addi %mul3A_69, %add3A_70 : i32
      %swap3A_72 = arith.index_cast %add3A_71 : i32 to index
      %swap3A_73 = tpu.vector_load %arg5[%swap3A_72] {strides = array<i32>} : memref<85248xf32, #tpu.memory_space<vmem>>, vector<16xf32>,
      tpu.vector_store %arg5[%swap3A_72], %broadcast_in_dim3A_1 {strides = array<i32>} : memref<85248xf32, #tpu.memory_space<vmem>>, vector<16xf32>,
      %mul3A_74 = arith.constant 128 : i32
      %mul3A_75 = arith.muli %scan3A_31, %mul3A_74 : i32
      %add3A_76 = arith.constant 112 : i32
      %add3A_77 = arith.addi %mul3A_75, %add3A_76 : i32
      %swap3A_78 = arith.index_cast %add3A_77 : i32 to index
      %swap3A_79 = tpu.vector_load %arg5[%swap3A_78] {strides = array<i32>} : memref<85248xf32, #tpu.memory_space<vmem>>, vector<16xf32>,
      tpu.vector_store %arg5[%swap3A_78], %broadcast_in_dim3A_1 {strides = array<i32>} : memref<85248xf32, #tpu.memory_space<vmem>>, vector<16xf32>,
      %scan3A_80 = arith.constant 0 : i32
      scf.yield %scan3A_80 : i32
    }
    %scan3A_9 = arith.constant 666 : i32
    %scan3A_10 = arith.constant 0 : i32
    %scan3A_11 = arith.constant 0 : i32
    %scan3A_12 = arith.constant 240 : i32
    %scan3A_13 = arith.addi %scan3A_11, %scan3A_12 : i32
    %scan3A_14 = arith.constant 1 : i32
    %scan3A_15 = scf.for %scan3A_31 = %scan3A_11 to %scan3A_13 step %scan3A_14 iter_args(%scan3A_32 = %scan3A_10) -> (i32)  : i32 {
      %get3A = arith.index_cast %scan3A_31 : i32 to index
      %get3A_33 = arith.constant 0 : index
      %get3A_34 = tpu.vector_load %arg4[%get3A, %get3A_33] {strides = array<i32>} : memref<240x16xi32, #tpu.memory_space<vmem>>, vector<16xi32>,
      %ge3A = arith.constant -5760 : i32
      %ge3A_35 = vector.broadcast %ge3A : i32 to vector<16xi32>
      %ge3A_36 = arith.cmpi sge, %get3A_34, %ge3A_35 : vector<16xi32>
      %lt3A = arith.constant 73728 : i32
      %lt3A_37 = vector.broadcast %lt3A : i32 to vector<16xi32>
      %lt3A_38 = arith.cmpi slt, %get3A_34, %lt3A_37 : vector<16xi32>
      %and3A = arith.andi %ge3A_36, %lt3A_38 : vector<16xi1>
      %sub3A = arith.constant -5760 : i32
      %sub3A_39 = vector.broadcast %sub3A : i32 to vector<16xi32>
      %sub3A_40 = arith.subi %get3A_34, %sub3A_39 : vector<16xi32>
      %add3A_41 = arith.addi %sub3A_40, %iota3A : vector<16xi32>
      %add3A_42 = arith.constant 0 : i32
      %add3A_43 = vector.broadcast %add3A_42 : i32 to vector<16xi32>
      %add3A_44 = arith.addi %add3A_41, %add3A_43 : vector<16xi32>
      tpu.vector_store_idx %arg5[%add3A_44], %broadcast_in_dim3A_3 masked %and3A : memref<85248xf32, #tpu.memory_space<vmem>>[vector<16xi32>], vector<16xf32>, vector<16xi1>
      %add3A_45 = arith.constant 384 : i32
      %add3A_46 = vector.broadcast %add3A_45 : i32 to vector<16xi32>
      %add3A_47 = arith.addi %add3A_41, %add3A_46 : vector<16xi32>
      tpu.vector_store_idx %arg5[%add3A_47], %broadcast_in_dim3A_3 masked %and3A : memref<85248xf32, #tpu.memory_space<vmem>>[vector<16xi32>], vector<16xf32>, vector<16xi1>
      %add3A_48 = arith.constant 768 : i32
      %add3A_49 = vector.broadcast %add3A_48 : i32 to vector<16xi32>
      %add3A_50 = arith.addi %add3A_41, %add3A_49 : vector<16xi32>
      tpu.vector_store_idx %arg5[%add3A_50], %broadcast_in_dim3A_3 masked %and3A : memref<85248xf32, #tpu.memory_space<vmem>>[vector<16xi32>], vector<16xf32>, vector<16xi1>
      %add3A_51 = arith.constant 1152 : i32
      %add3A_52 = vector.broadcast %add3A_51 : i32 to vector<16xi32>
      %add3A_53 = arith.addi %add3A_41, %add3A_52 : vector<16xi32>
      tpu.vector_store_idx %arg5[%add3A_53], %broadcast_in_dim3A_3 masked %and3A : memref<85248xf32, #tpu.memory_space<vmem>>[vector<16xi32>], vector<16xf32>, vector<16xi1>
      %add3A_54 = arith.constant 1536 : i32
      %add3A_55 = vector.broadcast %add3A_54 : i32 to vector<16xi32>
      %add3A_56 = arith.addi %add3A_41, %add3A_55 : vector<16xi32>
      tpu.vector_store_idx %arg5[%add3A_56], %broadcast_in_dim3A_3 masked %and3A : memref<85248xf32, #tpu.memory_space<vmem>>[vector<16xi32>], vector<16xf32>, vector<16xi1>
      %add3A_57 = arith.constant 1920 : i32
      %add3A_58 = vector.broadcast %add3A_57 : i32 to vector<16xi32>
      %add3A_59 = arith.addi %add3A_41, %add3A_58 : vector<16xi32>
      tpu.vector_store_idx %arg5[%add3A_59], %broadcast_in_dim3A_3 masked %and3A : memref<85248xf32, #tpu.memory_space<vmem>>[vector<16xi32>], vector<16xf32>, vector<16xi1>
      %add3A_60 = arith.constant 2304 : i32
      %add3A_61 = vector.broadcast %add3A_60 : i32 to vector<16xi32>
      %add3A_62 = arith.addi %add3A_41, %add3A_61 : vector<16xi32>
      tpu.vector_store_idx %arg5[%add3A_62], %broadcast_in_dim3A_3 masked %and3A : memref<85248xf32, #tpu.memory_space<vmem>>[vector<16xi32>], vector<16xf32>, vector<16xi1>
      %add3A_63 = arith.constant 2688 : i32
      %add3A_64 = vector.broadcast %add3A_63 : i32 to vector<16xi32>
      %add3A_65 = arith.addi %add3A_41, %add3A_64 : vector<16xi32>
      tpu.vector_store_idx %arg5[%add3A_65], %broadcast_in_dim3A_3 masked %and3A : memref<85248xf32, #tpu.memory_space<vmem>>[vector<16xi32>], vector<16xf32>, vector<16xi1>
      %add3A_66 = arith.constant 3072 : i32
      %add3A_67 = vector.broadcast %add3A_66 : i32 to vector<16xi32>
      %add3A_68 = arith.addi %add3A_41, %add3A_67 : vector<16xi32>
      tpu.vector_store_idx %arg5[%add3A_68], %broadcast_in_dim3A_3 masked %and3A : memref<85248xf32, #tpu.memory_space<vmem>>[vector<16xi32>], vector<16xf32>, vector<16xi1>
      %add3A_69 = arith.constant 3456 : i32
      %add3A_70 = vector.broadcast %add3A_69 : i32 to vector<16xi32>
      %add3A_71 = arith.addi %add3A_41, %add3A_70 : vector<16xi32>
      tpu.vector_store_idx %arg5[%add3A_71], %broadcast_in_dim3A_3 masked %and3A : memref<85248xf32, #tpu.memory_space<vmem>>[vector<16xi32>], vector<16xf32>, vector<16xi1>
      %add3A_72 = arith.constant 3840 : i32
      %add3A_73 = vector.broadcast %add3A_72 : i32 to vector<16xi32>
      %add3A_74 = arith.addi %add3A_41, %add3A_73 : vector<16xi32>
      tpu.vector_store_idx %arg5[%add3A_74], %broadcast_in_dim3A_3 masked %and3A : memref<85248xf32, #tpu.memory_space<vmem>>[vector<16xi32>], vector<16xf32>, vector<16xi1>
      %add3A_75 = arith.constant 4224 : i32
      %add3A_76 = vector.broadcast %add3A_75 : i32 to vector<16xi32>
      %add3A_77 = arith.addi %add3A_41, %add3A_76 : vector<16xi32>
      tpu.vector_store_idx %arg5[%add3A_77], %broadcast_in_dim3A_3 masked %and3A : memref<85248xf32, #tpu.memory_space<vmem>>[vector<16xi32>], vector<16xf32>, vector<16xi1>
      %add3A_78 = arith.constant 4608 : i32
      %add3A_79 = vector.broadcast %add3A_78 : i32 to vector<16xi32>
      %add3A_80 = arith.addi %add3A_41, %add3A_79 : vector<16xi32>
      tpu.vector_store_idx %arg5[%add3A_80], %broadcast_in_dim3A_3 masked %and3A : memref<85248xf32, #tpu.memory_space<vmem>>[vector<16xi32>], vector<16xf32>, vector<16xi1>
      %add3A_81 = arith.constant 4992 : i32
      %add3A_82 = vector.broadcast %add3A_81 : i32 to vector<16xi32>
      %add3A_83 = arith.addi %add3A_41, %add3A_82 : vector<16xi32>
      tpu.vector_store_idx %arg5[%add3A_83], %broadcast_in_dim3A_3 masked %and3A : memref<85248xf32, #tpu.memory_space<vmem>>[vector<16xi32>], vector<16xf32>, vector<16xi1>
      %add3A_84 = arith.constant 5376 : i32
      %add3A_85 = vector.broadcast %add3A_84 : i32 to vector<16xi32>
      %add3A_86 = arith.addi %add3A_41, %add3A_85 : vector<16xi32>
      tpu.vector_store_idx %arg5[%add3A_86], %broadcast_in_dim3A_3 masked %and3A : memref<85248xf32, #tpu.memory_space<vmem>>[vector<16xi32>], vector<16xf32>, vector<16xi1>
      %add3A_87 = arith.constant 5760 : i32
      %add3A_88 = vector.broadcast %add3A_87 : i32 to vector<16xi32>
      %add3A_89 = arith.addi %add3A_41, %add3A_88 : vector<16xi32>
      tpu.vector_store_idx %arg5[%add3A_89], %broadcast_in_dim3A_3 masked %and3A : memref<85248xf32, #tpu.memory_space<vmem>>[vector<16xi32>], vector<16xf32>, vector<16xi1>
      %scan3A_90 = arith.constant 0 : i32
      scf.yield %scan3A_90 : i32
    }
    %scan3A_16 = arith.constant 240 : i32
    "tpu.region"() ({
      %run_scoped3A = tpu.sem_alloc : memref<!tpu.dma_semaphore, #tpu.memory_space<semaphore_mem>>
      %dma_start3A = arith.constant 5760 : i32
      %dma_start3A_31 = tpu.memref_slice %arg5[%dma_start3A] : memref<85248xf32, #tpu.memory_space<vmem>> -> memref<73728xf32, #tpu.memory_space<vmem>>
      %dma_start3A_32 = arith.constant 0 : i32
      %dma_start3A_33 = tpu.memref_slice %arg3[%add3A, %dma_start3A_32] : memref<32x147456xf32, #tpu.memory_space<hbm>> -> memref<1x73728xf32, #tpu.memory_space<hbm>>
      %dma_start3A_34 = tpu.memref_squeeze %dma_start3A_33 : memref<1x73728xf32, #tpu.memory_space<hbm>> -> memref<73728xf32, #tpu.memory_space<hbm>>
      %dma_start3A_35 = arith.constant 0 : i32
      %dma_start3A_36 = tpu.memref_slice %arg3[%add3A, %dma_start3A_35] : memref<32x147456xf32, #tpu.memory_space<hbm>> -> memref<1x73728xf32, #tpu.memory_space<hbm>>
      %dma_start3A_37 = tpu.memref_squeeze %dma_start3A_36 : memref<1x73728xf32, #tpu.memory_space<hbm>> -> memref<73728xf32, #tpu.memory_space<hbm>>
      %dma_start3A_38 = arith.constant 5760 : i32
      %dma_start3A_39 = tpu.memref_slice %arg5[%dma_start3A_38] : memref<85248xf32, #tpu.memory_space<vmem>> -> memref<73728xf32, #tpu.memory_space<vmem>>
      tpu.enqueue_dma source(%dma_start3A_39 : memref<73728xf32, #tpu.memory_space<vmem>>) target(%dma_start3A_37 : memref<73728xf32, #tpu.memory_space<hbm>>) target_semaphore(%run_scoped3A : memref<!tpu.dma_semaphore, #tpu.memory_space<semaphore_mem>>)
      %dma_wait3A = arith.constant 5760 : i32
      %dma_wait3A_40 = tpu.memref_slice %arg5[%dma_wait3A] : memref<85248xf32, #tpu.memory_space<vmem>> -> memref<73728xf32, #tpu.memory_space<vmem>>
      %dma_wait3A_41 = arith.constant 0 : i32
      %dma_wait3A_42 = tpu.memref_slice %arg3[%add3A, %dma_wait3A_41] : memref<32x147456xf32, #tpu.memory_space<hbm>> -> memref<1x73728xf32, #tpu.memory_space<hbm>>
      %dma_wait3A_43 = tpu.memref_squeeze %dma_wait3A_42 : memref<1x73728xf32, #tpu.memory_space<hbm>> -> memref<73728xf32, #tpu.memory_space<hbm>>
      %dma_wait3A_44 = arith.constant 0 : i32
      %dma_wait3A_45 = tpu.memref_slice %arg3[%add3A, %dma_wait3A_44] : memref<32x147456xf32, #tpu.memory_space<hbm>> -> memref<1x73728xf32, #tpu.memory_space<hbm>>
      %dma_wait3A_46 = tpu.memref_squeeze %dma_wait3A_45 : memref<1x73728xf32, #tpu.memory_space<hbm>> -> memref<73728xf32, #tpu.memory_space<hbm>>
      %dma_wait3A_47 = arith.constant 5760 : i32
      %dma_wait3A_48 = tpu.memref_slice %arg5[%dma_wait3A_47] : memref<85248xf32, #tpu.memory_space<vmem>> -> memref<73728xf32, #tpu.memory_space<vmem>>
      tpu.wait_dma2 semaphore(%run_scoped3A : memref<!tpu.dma_semaphore, #tpu.memory_space<semaphore_mem>>) src(%dma_wait3A_48 : memref<73728xf32, #tpu.memory_space<vmem>>) dst(%dma_wait3A_46 : memref<73728xf32, #tpu.memory_space<hbm>>)
      tpu.yield
    }) : () -> ()
    %scan3A_17 = arith.constant 0 : i32
    %scan3A_18 = arith.constant 0 : i32
    %scan3A_19 = arith.constant 666 : i32
    %scan3A_20 = arith.addi %scan3A_18, %scan3A_19 : i32
    %scan3A_21 = arith.constant 1 : i32
    %scan3A_22 = scf.for %scan3A_31 = %scan3A_18 to %scan3A_20 step %scan3A_21 iter_args(%scan3A_32 = %scan3A_17) -> (i32)  : i32 {
      %mul3A_33 = arith.constant 128 : i32
      %mul3A_34 = arith.muli %scan3A_31, %mul3A_33 : i32
      %add3A_35 = arith.constant 0 : i32
      %add3A_36 = arith.addi %mul3A_34, %add3A_35 : i32
      %swap3A = arith.index_cast %add3A_36 : i32 to index
      %swap3A_37 = tpu.vector_load %arg5[%swap3A] {strides = array<i32>} : memref<85248xf32, #tpu.memory_space<vmem>>, vector<16xf32>,
      tpu.vector_store %arg5[%swap3A], %broadcast_in_dim3A_1 {strides = array<i32>} : memref<85248xf32, #tpu.memory_space<vmem>>, vector<16xf32>,
      %mul3A_38 = arith.constant 128 : i32
      %mul3A_39 = arith.muli %scan3A_31, %mul3A_38 : i32
      %add3A_40 = arith.constant 16 : i32
      %add3A_41 = arith.addi %mul3A_39, %add3A_40 : i32
      %swap3A_42 = arith.index_cast %add3A_41 : i32 to index
      %swap3A_43 = tpu.vector_load %arg5[%swap3A_42] {strides = array<i32>} : memref<85248xf32, #tpu.memory_space<vmem>>, vector<16xf32>,
      tpu.vector_store %arg5[%swap3A_42], %broadcast_in_dim3A_1 {strides = array<i32>} : memref<85248xf32, #tpu.memory_space<vmem>>, vector<16xf32>,
      %mul3A_44 = arith.constant 128 : i32
      %mul3A_45 = arith.muli %scan3A_31, %mul3A_44 : i32
      %add3A_46 = arith.constant 32 : i32
      %add3A_47 = arith.addi %mul3A_45, %add3A_46 : i32
      %swap3A_48 = arith.index_cast %add3A_47 : i32 to index
      %swap3A_49 = tpu.vector_load %arg5[%swap3A_48] {strides = array<i32>} : memref<85248xf32, #tpu.memory_space<vmem>>, vector<16xf32>,
      tpu.vector_store %arg5[%swap3A_48], %broadcast_in_dim3A_1 {strides = array<i32>} : memref<85248xf32, #tpu.memory_space<vmem>>, vector<16xf32>,
      %mul3A_50 = arith.constant 128 : i32
      %mul3A_51 = arith.muli %scan3A_31, %mul3A_50 : i32
      %add3A_52 = arith.constant 48 : i32
      %add3A_53 = arith.addi %mul3A_51, %add3A_52 : i32
      %swap3A_54 = arith.index_cast %add3A_53 : i32 to index
      %swap3A_55 = tpu.vector_load %arg5[%swap3A_54] {strides = array<i32>} : memref<85248xf32, #tpu.memory_space<vmem>>, vector<16xf32>,
      tpu.vector_store %arg5[%swap3A_54], %broadcast_in_dim3A_1 {strides = array<i32>} : memref<85248xf32, #tpu.memory_space<vmem>>, vector<16xf32>,
      %mul3A_56 = arith.constant 128 : i32
      %mul3A_57 = arith.muli %scan3A_31, %mul3A_56 : i32
      %add3A_58 = arith.constant 64 : i32
      %add3A_59 = arith.addi %mul3A_57, %add3A_58 : i32
      %swap3A_60 = arith.index_cast %add3A_59 : i32 to index
      %swap3A_61 = tpu.vector_load %arg5[%swap3A_60] {strides = array<i32>} : memref<85248xf32, #tpu.memory_space<vmem>>, vector<16xf32>,
      tpu.vector_store %arg5[%swap3A_60], %broadcast_in_dim3A_1 {strides = array<i32>} : memref<85248xf32, #tpu.memory_space<vmem>>, vector<16xf32>,
      %mul3A_62 = arith.constant 128 : i32
      %mul3A_63 = arith.muli %scan3A_31, %mul3A_62 : i32
      %add3A_64 = arith.constant 80 : i32
      %add3A_65 = arith.addi %mul3A_63, %add3A_64 : i32
      %swap3A_66 = arith.index_cast %add3A_65 : i32 to index
      %swap3A_67 = tpu.vector_load %arg5[%swap3A_66] {strides = array<i32>} : memref<85248xf32, #tpu.memory_space<vmem>>, vector<16xf32>,
      tpu.vector_store %arg5[%swap3A_66], %broadcast_in_dim3A_1 {strides = array<i32>} : memref<85248xf32, #tpu.memory_space<vmem>>, vector<16xf32>,
      %mul3A_68 = arith.constant 128 : i32
      %mul3A_69 = arith.muli %scan3A_31, %mul3A_68 : i32
      %add3A_70 = arith.constant 96 : i32
      %add3A_71 = arith.addi %mul3A_69, %add3A_70 : i32
      %swap3A_72 = arith.index_cast %add3A_71 : i32 to index
      %swap3A_73 = tpu.vector_load %arg5[%swap3A_72] {strides = array<i32>} : memref<85248xf32, #tpu.memory_space<vmem>>, vector<16xf32>,
      tpu.vector_store %arg5[%swap3A_72], %broadcast_in_dim3A_1 {strides = array<i32>} : memref<85248xf32, #tpu.memory_space<vmem>>, vector<16xf32>,
      %mul3A_74 = arith.constant 128 : i32
      %mul3A_75 = arith.muli %scan3A_31, %mul3A_74 : i32
      %add3A_76 = arith.constant 112 : i32
      %add3A_77 = arith.addi %mul3A_75, %add3A_76 : i32
      %swap3A_78 = arith.index_cast %add3A_77 : i32 to index
      %swap3A_79 = tpu.vector_load %arg5[%swap3A_78] {strides = array<i32>} : memref<85248xf32, #tpu.memory_space<vmem>>, vector<16xf32>,
      tpu.vector_store %arg5[%swap3A_78], %broadcast_in_dim3A_1 {strides = array<i32>} : memref<85248xf32, #tpu.memory_space<vmem>>, vector<16xf32>,
      %scan3A_80 = arith.constant 0 : i32
      scf.yield %scan3A_80 : i32
    }
    %scan3A_23 = arith.constant 666 : i32
    %scan3A_24 = arith.constant 0 : i32
    %scan3A_25 = arith.constant 0 : i32
    %scan3A_26 = arith.constant 240 : i32
    %scan3A_27 = arith.addi %scan3A_25, %scan3A_26 : i32
    %scan3A_28 = arith.constant 1 : i32
    %scan3A_29 = scf.for %scan3A_31 = %scan3A_25 to %scan3A_27 step %scan3A_28 iter_args(%scan3A_32 = %scan3A_24) -> (i32)  : i32 {
      %get3A = arith.index_cast %scan3A_31 : i32 to index
      %get3A_33 = arith.constant 0 : index
      %get3A_34 = tpu.vector_load %arg4[%get3A, %get3A_33] {strides = array<i32>} : memref<240x16xi32, #tpu.memory_space<vmem>>, vector<16xi32>,
      %ge3A = arith.constant 67968 : i32
      %ge3A_35 = vector.broadcast %ge3A : i32 to vector<16xi32>
      %ge3A_36 = arith.cmpi sge, %get3A_34, %ge3A_35 : vector<16xi32>
      %lt3A = arith.constant 147456 : i32
      %lt3A_37 = vector.broadcast %lt3A : i32 to vector<16xi32>
      %lt3A_38 = arith.cmpi slt, %get3A_34, %lt3A_37 : vector<16xi32>
      %and3A = arith.andi %ge3A_36, %lt3A_38 : vector<16xi1>
      %sub3A = arith.constant 67968 : i32
      %sub3A_39 = vector.broadcast %sub3A : i32 to vector<16xi32>
      %sub3A_40 = arith.subi %get3A_34, %sub3A_39 : vector<16xi32>
      %add3A_41 = arith.addi %sub3A_40, %iota3A : vector<16xi32>
      %add3A_42 = arith.constant 0 : i32
      %add3A_43 = vector.broadcast %add3A_42 : i32 to vector<16xi32>
      %add3A_44 = arith.addi %add3A_41, %add3A_43 : vector<16xi32>
      tpu.vector_store_idx %arg5[%add3A_44], %broadcast_in_dim3A_3 masked %and3A : memref<85248xf32, #tpu.memory_space<vmem>>[vector<16xi32>], vector<16xf32>, vector<16xi1>
      %add3A_45 = arith.constant 384 : i32
      %add3A_46 = vector.broadcast %add3A_45 : i32 to vector<16xi32>
      %add3A_47 = arith.addi %add3A_41, %add3A_46 : vector<16xi32>
      tpu.vector_store_idx %arg5[%add3A_47], %broadcast_in_dim3A_3 masked %and3A : memref<85248xf32, #tpu.memory_space<vmem>>[vector<16xi32>], vector<16xf32>, vector<16xi1>
      %add3A_48 = arith.constant 768 : i32
      %add3A_49 = vector.broadcast %add3A_48 : i32 to vector<16xi32>
      %add3A_50 = arith.addi %add3A_41, %add3A_49 : vector<16xi32>
      tpu.vector_store_idx %arg5[%add3A_50], %broadcast_in_dim3A_3 masked %and3A : memref<85248xf32, #tpu.memory_space<vmem>>[vector<16xi32>], vector<16xf32>, vector<16xi1>
      %add3A_51 = arith.constant 1152 : i32
      %add3A_52 = vector.broadcast %add3A_51 : i32 to vector<16xi32>
      %add3A_53 = arith.addi %add3A_41, %add3A_52 : vector<16xi32>
      tpu.vector_store_idx %arg5[%add3A_53], %broadcast_in_dim3A_3 masked %and3A : memref<85248xf32, #tpu.memory_space<vmem>>[vector<16xi32>], vector<16xf32>, vector<16xi1>
      %add3A_54 = arith.constant 1536 : i32
      %add3A_55 = vector.broadcast %add3A_54 : i32 to vector<16xi32>
      %add3A_56 = arith.addi %add3A_41, %add3A_55 : vector<16xi32>
      tpu.vector_store_idx %arg5[%add3A_56], %broadcast_in_dim3A_3 masked %and3A : memref<85248xf32, #tpu.memory_space<vmem>>[vector<16xi32>], vector<16xf32>, vector<16xi1>
      %add3A_57 = arith.constant 1920 : i32
      %add3A_58 = vector.broadcast %add3A_57 : i32 to vector<16xi32>
      %add3A_59 = arith.addi %add3A_41, %add3A_58 : vector<16xi32>
      tpu.vector_store_idx %arg5[%add3A_59], %broadcast_in_dim3A_3 masked %and3A : memref<85248xf32, #tpu.memory_space<vmem>>[vector<16xi32>], vector<16xf32>, vector<16xi1>
      %add3A_60 = arith.constant 2304 : i32
      %add3A_61 = vector.broadcast %add3A_60 : i32 to vector<16xi32>
      %add3A_62 = arith.addi %add3A_41, %add3A_61 : vector<16xi32>
      tpu.vector_store_idx %arg5[%add3A_62], %broadcast_in_dim3A_3 masked %and3A : memref<85248xf32, #tpu.memory_space<vmem>>[vector<16xi32>], vector<16xf32>, vector<16xi1>
      %add3A_63 = arith.constant 2688 : i32
      %add3A_64 = vector.broadcast %add3A_63 : i32 to vector<16xi32>
      %add3A_65 = arith.addi %add3A_41, %add3A_64 : vector<16xi32>
      tpu.vector_store_idx %arg5[%add3A_65], %broadcast_in_dim3A_3 masked %and3A : memref<85248xf32, #tpu.memory_space<vmem>>[vector<16xi32>], vector<16xf32>, vector<16xi1>
      %add3A_66 = arith.constant 3072 : i32
      %add3A_67 = vector.broadcast %add3A_66 : i32 to vector<16xi32>
      %add3A_68 = arith.addi %add3A_41, %add3A_67 : vector<16xi32>
      tpu.vector_store_idx %arg5[%add3A_68], %broadcast_in_dim3A_3 masked %and3A : memref<85248xf32, #tpu.memory_space<vmem>>[vector<16xi32>], vector<16xf32>, vector<16xi1>
      %add3A_69 = arith.constant 3456 : i32
      %add3A_70 = vector.broadcast %add3A_69 : i32 to vector<16xi32>
      %add3A_71 = arith.addi %add3A_41, %add3A_70 : vector<16xi32>
      tpu.vector_store_idx %arg5[%add3A_71], %broadcast_in_dim3A_3 masked %and3A : memref<85248xf32, #tpu.memory_space<vmem>>[vector<16xi32>], vector<16xf32>, vector<16xi1>
      %add3A_72 = arith.constant 3840 : i32
      %add3A_73 = vector.broadcast %add3A_72 : i32 to vector<16xi32>
      %add3A_74 = arith.addi %add3A_41, %add3A_73 : vector<16xi32>
      tpu.vector_store_idx %arg5[%add3A_74], %broadcast_in_dim3A_3 masked %and3A : memref<85248xf32, #tpu.memory_space<vmem>>[vector<16xi32>], vector<16xf32>, vector<16xi1>
      %add3A_75 = arith.constant 4224 : i32
      %add3A_76 = vector.broadcast %add3A_75 : i32 to vector<16xi32>
      %add3A_77 = arith.addi %add3A_41, %add3A_76 : vector<16xi32>
      tpu.vector_store_idx %arg5[%add3A_77], %broadcast_in_dim3A_3 masked %and3A : memref<85248xf32, #tpu.memory_space<vmem>>[vector<16xi32>], vector<16xf32>, vector<16xi1>
      %add3A_78 = arith.constant 4608 : i32
      %add3A_79 = vector.broadcast %add3A_78 : i32 to vector<16xi32>
      %add3A_80 = arith.addi %add3A_41, %add3A_79 : vector<16xi32>
      tpu.vector_store_idx %arg5[%add3A_80], %broadcast_in_dim3A_3 masked %and3A : memref<85248xf32, #tpu.memory_space<vmem>>[vector<16xi32>], vector<16xf32>, vector<16xi1>
      %add3A_81 = arith.constant 4992 : i32
      %add3A_82 = vector.broadcast %add3A_81 : i32 to vector<16xi32>
      %add3A_83 = arith.addi %add3A_41, %add3A_82 : vector<16xi32>
      tpu.vector_store_idx %arg5[%add3A_83], %broadcast_in_dim3A_3 masked %and3A : memref<85248xf32, #tpu.memory_space<vmem>>[vector<16xi32>], vector<16xf32>, vector<16xi1>
      %add3A_84 = arith.constant 5376 : i32
      %add3A_85 = vector.broadcast %add3A_84 : i32 to vector<16xi32>
      %add3A_86 = arith.addi %add3A_41, %add3A_85 : vector<16xi32>
      tpu.vector_store_idx %arg5[%add3A_86], %broadcast_in_dim3A_3 masked %and3A : memref<85248xf32, #tpu.memory_space<vmem>>[vector<16xi32>], vector<16xf32>, vector<16xi1>
      %add3A_87 = arith.constant 5760 : i32
      %add3A_88 = vector.broadcast %add3A_87 : i32 to vector<16xi32>
      %add3A_89 = arith.addi %add3A_41, %add3A_88 : vector<16xi32>
      tpu.vector_store_idx %arg5[%add3A_89], %broadcast_in_dim3A_3 masked %and3A : memref<85248xf32, #tpu.memory_space<vmem>>[vector<16xi32>], vector<16xf32>, vector<16xi1>
      %scan3A_90 = arith.constant 0 : i32
      scf.yield %scan3A_90 : i32
    }
    %scan3A_30 = arith.constant 240 : i32
    "tpu.region"() ({
      %run_scoped3A = tpu.sem_alloc : memref<!tpu.dma_semaphore, #tpu.memory_space<semaphore_mem>>
      %dma_start3A = arith.constant 5760 : i32
      %dma_start3A_31 = tpu.memref_slice %arg5[%dma_start3A] : memref<85248xf32, #tpu.memory_space<vmem>> -> memref<73728xf32, #tpu.memory_space<vmem>>
      %dma_start3A_32 = arith.constant 73728 : i32
      %dma_start3A_33 = tpu.memref_slice %arg3[%add3A, %dma_start3A_32] : memref<32x147456xf32, #tpu.memory_space<hbm>> -> memref<1x73728xf32, #tpu.memory_space<hbm>>
      %dma_start3A_34 = tpu.memref_squeeze %dma_start3A_33 : memref<1x73728xf32, #tpu.memory_space<hbm>> -> memref<73728xf32, #tpu.memory_space<hbm>>
      %dma_start3A_35 = arith.constant 73728 : i32
      %dma_start3A_36 = tpu.memref_slice %arg3[%add3A, %dma_start3A_35] : memref<32x147456xf32, #tpu.memory_space<hbm>> -> memref<1x73728xf32, #tpu.memory_space<hbm>>
      %dma_start3A_37 = tpu.memref_squeeze %dma_start3A_36 : memref<1x73728xf32, #tpu.memory_space<hbm>> -> memref<73728xf32, #tpu.memory_space<hbm>>
      %dma_start3A_38 = arith.constant 5760 : i32
      %dma_start3A_39 = tpu.memref_slice %arg5[%dma_start3A_38] : memref<85248xf32, #tpu.memory_space<vmem>> -> memref<73728xf32, #tpu.memory_space<vmem>>
      tpu.enqueue_dma source(%dma_start3A_39 : memref<73728xf32, #tpu.memory_space<vmem>>) target(%dma_start3A_37 : memref<73728xf32, #tpu.memory_space<hbm>>) target_semaphore(%run_scoped3A : memref<!tpu.dma_semaphore, #tpu.memory_space<semaphore_mem>>)
      %dma_wait3A = arith.constant 5760 : i32
      %dma_wait3A_40 = tpu.memref_slice %arg5[%dma_wait3A] : memref<85248xf32, #tpu.memory_space<vmem>> -> memref<73728xf32, #tpu.memory_space<vmem>>
      %dma_wait3A_41 = arith.constant 73728 : i32
      %dma_wait3A_42 = tpu.memref_slice %arg3[%add3A, %dma_wait3A_41] : memref<32x147456xf32, #tpu.memory_space<hbm>> -> memref<1x73728xf32, #tpu.memory_space<hbm>>
      %dma_wait3A_43 = tpu.memref_squeeze %dma_wait3A_42 : memref<1x73728xf32, #tpu.memory_space<hbm>> -> memref<73728xf32, #tpu.memory_space<hbm>>
      %dma_wait3A_44 = arith.constant 73728 : i32
      %dma_wait3A_45 = tpu.memref_slice %arg3[%add3A, %dma_wait3A_44] : memref<32x147456xf32, #tpu.memory_space<hbm>> -> memref<1x73728xf32, #tpu.memory_space<hbm>>
      %dma_wait3A_46 = tpu.memref_squeeze %dma_wait3A_45 : memref<1x73728xf32, #tpu.memory_space<hbm>> -> memref<73728xf32, #tpu.memory_space<hbm>>
      %dma_wait3A_47 = arith.constant 5760 : i32
      %dma_wait3A_48 = tpu.memref_slice %arg5[%dma_wait3A_47] : memref<85248xf32, #tpu.memory_space<vmem>> -> memref<73728xf32, #tpu.memory_space<vmem>>
      tpu.wait_dma2 semaphore(%run_scoped3A : memref<!tpu.dma_semaphore, #tpu.memory_space<semaphore_mem>>) src(%dma_wait3A_48 : memref<73728xf32, #tpu.memory_space<vmem>>) dst(%dma_wait3A_46 : memref<73728xf32, #tpu.memory_space<hbm>>)
      tpu.yield
    }) : () -> ()
    return
  }
}

module attributes {stable_mosaic.version = 14 : i64} {
  func.func @_mul_body(%arg0: i32, %arg1: memref<1x384x384xf32, #tpu.memory_space<vmem>>, %arg2: memref<1x3x384x384xf32, #tpu.memory_space<vmem>>, %arg3: memref<1x3x384x384xf32, #tpu.memory_space<vmem>>) attributes {dimension_semantics = [#tpu.dimension_semantics<arbitrary>], iteration_bounds = array<i64: 32>, scalar_prefetch = 0 : i64, scratch_operands = 0 : i64, tpu.core_type = #tpu.core_type<tc>, window_params = [{transform_indices = @transform_0, window_bounds = array<i64: 1, 384, 384>}, {transform_indices = @transform_1, window_bounds = array<i64: 1, 3, 384, 384>}, {transform_indices = @transform_2, window_bounds = array<i64: 1, 3, 384, 384>}]} {
    %get3A = arith.constant 0 : index
    %get3A_0 = arith.constant 0 : index
    %get3A_1 = arith.constant 0 : index
    %get3A_2 = arith.constant 0 : index
    %get3A_3 = vector.load %arg2[%get3A, %get3A_0, %get3A_1, %get3A_2] : memref<1x3x384x384xf32, #tpu.memory_space<vmem>>, vector<1x3x384x384xf32>
    %get3A_4 = arith.constant 0 : index
    %get3A_5 = arith.constant 0 : index
    %get3A_6 = arith.constant 0 : index
    %get3A_7 = vector.load %arg1[%get3A_4, %get3A_5, %get3A_6] : memref<1x384x384xf32, #tpu.memory_space<vmem>>, vector<1x384x384xf32>
    %broadcast_in_dim3A = vector.shape_cast %get3A_7 : vector<1x384x384xf32> to vector<1x1x384x384xf32>
    %mul3A = vector.broadcast %broadcast_in_dim3A : vector<1x1x384x384xf32> to vector<1x3x384x384xf32>
    %mul3A_8 = arith.mulf %get3A_3, %mul3A : vector<1x3x384x384xf32>
    %swap3A = arith.constant 0 : index
    %swap3A_9 = arith.constant 0 : index
    %swap3A_10 = arith.constant 0 : index
    %swap3A_11 = arith.constant 0 : index
    %swap3A_12 = vector.load %arg3[%swap3A, %swap3A_9, %swap3A_10, %swap3A_11] : memref<1x3x384x384xf32, #tpu.memory_space<vmem>>, vector<1x3x384x384xf32>
    tpu.vector_store %arg3[%swap3A, %swap3A_9, %swap3A_10, %swap3A_11], %mul3A_8 {strides = array<i32>} : memref<1x3x384x384xf32, #tpu.memory_space<vmem>>, vector<1x3x384x384xf32>,
    return
  }
  func.func @transform_0(%arg0: i32) -> (i32, i32, i32) {
    %c0_i32 = arith.constant 0 : i32
    %c0_i32_0 = arith.constant 0 : i32
    %c0_i32_1 = arith.constant 0 : i32
    return %arg0, %c0_i32, %c0_i32_0 : i32, i32, i32
  }
  func.func @transform_1(%arg0: i32) -> (i32, i32, i32, i32) {
    %c0_i32 = arith.constant 0 : i32
    %c0_i32_0 = arith.constant 0 : i32
    %c0_i32_1 = arith.constant 0 : i32
    %c0_i32_2 = arith.constant 0 : i32
    return %arg0, %c0_i32, %c0_i32_0, %c0_i32_1 : i32, i32, i32, i32
  }
  func.func @transform_2(%arg0: i32) -> (i32, i32, i32, i32) {
    %c0_i32 = arith.constant 0 : i32
    %c0_i32_0 = arith.constant 0 : i32
    %c0_i32_1 = arith.constant 0 : i32
    %c0_i32_2 = arith.constant 0 : i32
    return %arg0, %c0_i32, %c0_i32_0, %c0_i32_1 : i32, i32, i32, i32
  }
}

</mosaic_0001>

<sc_bundles>
// kernel: kernel.4.cloned.1.call-start
scs
__scs_entry_jumppad:
0x0: {  	(pc) =	sbr.rel $0x88, $3  }
0x1: {  	(tag) =	ssettag $0x0;
	lr =	simm.s32 $0x1  }
0x2: {  	[smem:$0x3F9E] =	sst lr;
	_ =	strace $0xD0000000  }
0x3: {  	_ = 	snop  }
0x4: {  	_ = 	snop  }
0x5: {  	_ = 	snop  }
0x6: {  	_ = 	snop  }
0x7: {  	_ = 	snop  }
__scs_overlays_trampoline_lowered:
0x8: {  	[smem:$0x3FAD] =	sst s0  }
0x9: {  	[smem:$0x3FAE] =	sst s1  }
0xa: {  	[smem:$0x3FAF] =	sst s2  }
0xb: {  	[smem:$0x3FB0] =	sst s3  }
0xc: {  	[smem:$0x3FB1] =	sst s4  }
0xd: {  	[smem:$0x3FB2] =	sst s5  }
0xe: {  	[smem:$0x3FB3] =	sst s6  }
0xf: {  	[smem:$0x3FB4] =	sst s7  }
0x10: {  	[smem:$0x3FB5] =	sst s8  }
0x11: {  	[smem:$0x3FB6] =	sst s9;
	s0 =	simm.s32 @!p0 $0x0  }
0x12: {  	s1 =	sld [smem:$0x3F9C];
	s0 =	simm.s32 @p0 $0x1  }
0x13: {  	[smem:$0x3FB7] =	sst s0;
	s0 =	simm.s32 @!p1 $0x0  }
0x14: {  	s2 =	sld [smem:$0x3F9B];
	s0 =	simm.s32 @p1 $0x1  }
0x15: {  	[smem:$0x3FB8] =	sst s0;
	s0 =	simm.s32 @!p2 $0x0  }
0x16: {  	s3 =	sld [smem:$0x3FDB];
	s0 =	simm.s32 @p2 $0x1  }
0x17: {  	s4 =	simm.s32 $0x1BF5;
	[smem:$0x3FBA] =	sst s0  }
0x18: {  	s0 =	sld [smem:$0x3F9D];
	_ =	swait.ge [sflag:s4], $0x0  }
0x19: {  	s7 =	sld [smem:$0x3F9E]  }
0x1a: {  	s8 =	sadd.s32 $0xFFFFE003, lr  }
0x1b: {  	s9 =	sadd.s32 $0xFFFFFEF7, lr;
	s5 =	simm.s32 $0xFFFFFFFF;
	p2 =	slt.u32 s8, $0xFFFFF086  }
0x1c: {  	p1 =	slt.u32 s9, $0xF7A;
	s5 =	simm.s32 @!p2 $0x0  }
0x1d: {  	s5 =	simm.s32 @p1 $0x1;
	p0 =	seq.s32 s7, s2  }
0x1e: {  	s7 =	smul.u32 @!p0 $0xF7A, s2;
	p2 =	seq.s32 @!p0 s5, $0x0  }
0x1f: {  	s9 =	smul.u32 $0xF7A, s1;
	s8 =	simm.s32 @!p0 $0x1BF5;
	p2 =	por !p2, p0  }
0x20: {  	[sflag:s8] =	ssyncset.s32 @!p0 $0xFFFFF086;
	s6 =	sadd.s32 @!p0 s3, s7;
	s7 =	simm.s32 @!p0 $0x108  }
0x21: {  	s3 =	sadd.s32 s3, s9;
	s6 =	sadd.s32 @!p0 $0x88, s6;
	s7 =	simm.s32 @p2 $0x1082  }
0x22: {  	[simem:s7], [sflag:s8] =	dma.local @!p0 [hbm:s6], $0xF7A  }
0x23: {  	s9 =	sor.u32 $0xD0000000, s2;
	s6 =	simm.s32 $0x108;
	_ =	swait.ge @!p0 [sflag:s8], $0x0  }
0x24: {  	s3 =	sadd.s32 $0x88, s3;
	s6 =	simm.s32 @!p1 $0x1082;
	[sflag:s4] =	ssyncset.s32 $0xFFFFF086  }
0x25: {  	[simem:s6], [sflag:s4] =	dma.local [hbm:s3], $0xF7A  }
0x26: {  	[smem:$0x3F9E] =	sst s1;
	(tag) =	ssettag s2;
	_ =	strace s9  }
0x27: {  	s1 =	sld [smem:$0x3FAE]  }
0x28: {  	s2 =	sld [smem:$0x3FAF]  }
0x29: {  	s4 =	sld [smem:$0x3FB1]  }
0x2a: {  	p0 =	seq.s32 s5, $0x0;
	s5 =	sld [smem:$0x3FB2]  }
0x2b: {  	s6 =	sld [smem:$0x3FB3]  }
0x2c: {  	s7 =	sld [smem:$0x3FB4]  }
0x2d: {  	s3 =	simm.s32 $0x108;
	s8 =	sld [smem:$0x3FB5]  }
0x2e: {  	s3 =	simm.s32 @!p0 $0x1082;
	s9 =	sld [smem:$0x3FB6]  }
0x2f: {  	lr =	sadd.s32 s0, s3;
	s0 =	sld [smem:$0x3FAD]  }
0x30: {  	s3 =	sld [smem:$0x3FB0]  }
0x31: {  	[smem:$0x3FB9] =	sst s10  }
0x32: {  	s10 =	sld [smem:$0x3FB7];
	_ =	sdelay $0x3  }
0x33: {  	p0 =	seq.s32 s10, $0x1;
	s10 =	sld [smem:$0x3FB9];
	_ =	sdelay $0x3  }
0x34: {  	[smem:$0x3FB9] =	sst s10  }
0x35: {  	s10 =	sld [smem:$0x3FB8];
	_ =	sdelay $0x3  }
0x36: {  	p1 =	seq.s32 s10, $0x1;
	s10 =	sld [smem:$0x3FB9];
	_ =	sdelay $0x3  }
0x37: {  	[smem:$0x3FB9] =	sst s10  }
0x38: {  	s10 =	sld [smem:$0x3FBA]  }
0x39: {  	_ = 	snop;
	(pc) =	sbr.ind lr, $3  }
0x3a: {  	_ = 	snop  }
0x3b: {  	_ = 	snop  }
0x3c: {  	p2 =	seq.s32 s10, $0x1;
	s10 =	sld [smem:$0x3FB9]  }
0x3d: {  	_ =	shalt  }
0x3e: {  	_ =	shalt  }
0x3f: {  	_ =	shalt  }
0x40: {  	_ =	shalt  }
0x41: {  	_ =	shalt  }
0x42: {  	_ =	shalt  }
0x43: {  	_ =	shalt  }
0x44: {  	_ =	shalt  }
0x45: {  	_ =	shalt  }
0x46: {  	_ =	shalt  }
0x47: {  	_ =	shalt  }
0x48: {  	_ =	shalt  }
0x49: {  	_ =	shalt  }
0x4a: {  	_ =	shalt  }
0x4b: {  	_ =	shalt  }
0x4c: {  	_ =	shalt  }
0x4d: {  	_ =	shalt  }
0x4e: {  	_ =	shalt  }
0x4f: {  	_ =	shalt  }
0x50: {  	_ =	shalt  }
0x51: {  	_ =	shalt  }
0x52: {  	_ =	shalt  }
0x53: {  	_ =	shalt  }
0x54: {  	_ =	shalt  }
0x55: {  	_ =	shalt  }
0x56: {  	_ =	shalt  }
0x57: {  	_ =	shalt  }
0x58: {  	_ =	shalt  }
0x59: {  	_ =	shalt  }
0x5a: {  	_ =	shalt  }
0x5b: {  	_ =	shalt  }
0x5c: {  	_ =	shalt  }
0x5d: {  	_ =	shalt  }
0x5e: {  	_ =	shalt  }
0x5f: {  	_ =	shalt  }
0x60: {  	_ =	shalt  }
0x61: {  	_ =	shalt  }
0x62: {  	_ =	shalt  }
0x63: {  	_ =	shalt  }
0x64: {  	_ =	shalt  }
0x65: {  	_ =	shalt  }
0x66: {  	_ =	shalt  }
0x67: {  	_ =	shalt  }
0x68: {  	_ =	shalt  }
0x69: {  	_ =	shalt  }
0x6a: {  	_ =	shalt  }
0x6b: {  	_ =	shalt  }
0x6c: {  	_ =	shalt  }
0x6d: {  	_ =	shalt  }
0x6e: {  	_ =	shalt  }
0x6f: {  	_ =	shalt  }
0x70: {  	_ =	shalt  }
0x71: {  	_ =	shalt  }
0x72: {  	_ =	shalt  }
0x73: {  	_ =	shalt  }
0x74: {  	_ =	shalt  }
0x75: {  	_ =	shalt  }
0x76: {  	_ =	shalt  }
0x77: {  	_ =	shalt  }
0x78: {  	_ =	shalt  }
0x79: {  	_ =	shalt  }
0x7a: {  	_ =	shalt  }
0x7b: {  	_ =	shalt  }
0x7c: {  	_ =	shalt  }
0x7d: {  	_ =	shalt  }
0x7e: {  	_ =	shalt  }
0x7f: {  	_ =	shalt  }
0x80: {  	_ =	shalt  }
0x81: {  	_ =	shalt  }
0x82: {  	_ =	shalt  }
0x83: {  	_ =	shalt  }
0x84: {  	_ =	shalt  }
0x85: {  	_ =	shalt  }
0x86: {  	_ =	shalt  }
0x87: {  	_ =	shalt  }
.Lfunc_end0:
.L_simem_size_0:
called_computation_lowered:
.L_overlay_start_0:
0x88: {  	s2 =	sld [smem:$0x3FD9]  }
0x89: {  	s3 =	sld [smem:$0x3FFE];
	_ =	sdelay $0x1  }
0x8a: {  	s1 =	srdreg.scid  }
0x8b: {  	s0 =	sand.u32 $0x1, s1  }
0x8c: {  	s17 =	sshll.u32 s0, $0xA;
	s2 =	sadd.s32 s3, s2  }
0x8d: {  	s2 =	sadd.s32 s2, s17  }
0x8e: {  	[smem:$0x3FC5] =	sst s2  }
0x8f: {  	_ = 	snop  }
0x90: {  	s2 =	sld [smem:$0x3FD0];
	(tm) =	ssettm $0x1  }
0x91: {  	s18 =	sld [smem:$0x3FFB];
	_ =	sdelay $0x3  }
0x92: {  	_ =	strace s18  }
0x93: {  	s3 =	sld [smem:$0x3FFC];
	_ =	sdelay $0x3  }
0x94: {  	_ =	strace s3  }
0x95: {  	s3 =	sld [smem:$0x3FFD];
	_ =	sdelay $0x3  }
0x96: {  	_ =	strace s3  }
0x97: {  	_ =	strace $0x8FFFFFFF  }
0x98: {  	s19 =	sld [smem:$0x3FDB];
	_ =	sdelay $0x1  }
0x99: {  	s4 =	simm.s32 $_scs_section_size  }
0x9a: {  	s5 =	simm.s32 $_size__tile_overlayer_lowered;
	s6 =	simm.s32 $_tile_overlayer_lowered  }
0x9b: {  	s22 =	simm.s32 $0x1BFF;
	s21 =	sshll.u32 s6, $0x1;
	s3 =	sadd.s32 s4, s19  }
0x9c: {  	s7 =	simm.s32 $0x0;
	s20 =	sshll.u32 s5, $0x1;
	s5 =	sadd.s32 s21, s3  }
0x9d: {  	[timem:s7], [sflag:s22] =	dma.local [hbm:s5], s20  }
0x9e: {  	_ =	swait.ge [sflag:s22], s20  }
0x9f: {  	s4 =	ssub.s32 $0x0, s20;
	[sflag:s22] =	ssyncset.done $0x0  }
0xa0: {  	[sflag:s22] =	ssyncadd.s32 s4;
	_ =	sdelay $0x1  }
0xa1: {  	s23 =	simm.s32 $0x1B8B  }
0xa2: {  	_ =	swait.ge [sflag:s23], $0x1  }
0xa3: {  	[sflag:s23] =	ssyncset.done $0x0  }
0xa4: {  	s25 =	simm.s32 $0x1B8E;
	s24 =	sld [smem:$0x3FFE];
	[sflag:s23] =	ssyncadd.s32 $0xFFFFFFFF  }
0xa5: {  	s26 =	simm.s32 $execute0_lowered;
	[smem:$0x3FD2] =	sst s25  }
0xa6: {  	s5 =	sshll.u32 s26, $0x1;
	_ =	strace $0x80000046;
	[dreg:$0x1] =	wrdreg $0xFFFFFFFF  }
0xa7: {  	s28 =	simm.s32 $_size_execute0_lowered;
	s3 =	sadd.s32 s3, s5;
	[dreg:$0x0] =	wrdreg $0x0  }
0xa8: {  	s5 =	sshll.u32 s28, $0x1;
	[dreg:$0x2] =	wrdreg s3  }
0xa9: {  	[dreg:$0x3] =	wrdreg s5  }
0xaa: {  	[dreg:$0x4] =	wrdreg $0xC0  }
0xab: {  	_ =	task [dreg:s7], $0x5FFFF  }
0xac: {  	[dreg:$0x1] =	wrdreg $0xFFFFFFFF  }
0xad: {  	[dreg:$0x0] =	wrdreg $0x60  }
0xae: {  	[dreg:$0x2] =	wrdreg s24  }
0xaf: {  	[dreg:$0x3] =	wrdreg s2  }
0xb0: {  	[dreg:$0x4] =	wrdreg $0x9  }
0xb1: {  	_ =	task.clear_ibuf [dreg:s7], $0x5FFFF;
	_ =	strace $0x90000046  }
0xb2: {  	s29 =	simm.s32 $0x9;
	_ =	strace $0x80000048  }
0xb3: {  	_ =	swait.ge [sflag:s29], $0x1  }
0xb4: {  	[sflag:s29] =	ssyncadd.s32 $0xFFFFFFFF  }
0xb5: {  	_ =	strace $0x90000048  }
0xb6: {  	_ =	sfence  }
0xb7: {  	s30 =	sld [smem:$0x0];
	_ =	sdelay $0x2  }
0xb8: {  	s31 =	sshll.u32 s1, $0xD;
	s1 =	sshrl.u32 s1, $0x2  }
0xb9: {  	s3 =	sand.u32 $0x4000, s31;
	s1 =	sadd.s32 s1, s30  }
0xba: {  	s0 =	sor.u32 s3, s0;
	s1 =	sshll.u32 s1, $0x11  }
0xbb: {  	s0 =	sor.u32 s1, s0  }
0xbc: {  	s0 =	sadd.s32 $0x8F2B, s0  }
0xbd: {  	[sflag:s0] =	ssyncadd.remote.s32 $0x1  }
0xbe: {  	_ =	sfence.sel $0xFFFF  }
0xbf: {  	[dreg:$0x0] =	wrdreg $0xFFFFFFFF;
	(pc) =	sbr.abs _section_cstart, $3  }
0xc0: {  	[dreg:$0x1] =	wrdreg $0xFFFFFFFF  }
0xc1: {  	_ =	task.clear_ibuf [dreg:s7], $0x2FFFF;
	_ =	strace $0x9FFFFFFF  }
0xc2: {  	(tm) =	ssettm $0x7FFFFFFF  }
0xc3: {  	_ =	shalt  }
tec
execute0_lowered:
.L_overlay_start_1:
0x0: {  	(tag) =	ssettag $0x1  }
0x1: {  	s3 =	rddreg [dreg:$0x0]  }
0x2: {  	s5 =	rddreg [dreg:$0x1];
	v0 =	vimm.f32 $1.000000000e+00;
	v33 =	vlaneseq.u32  }
0x3: {  	s2 =	srdreg.scid;
	s0 =	stileid.u32;
	v2 =	vimm.f32 $0.0e+00;
	v1 =	vor.u32 $0x1680, v33;
	v3 =	vor.u32 $0x1800, v33  }
0x4: {  	s1 =	rddreg [dreg:$0x2];
	s10 =	simm.s32 $0x400;
	s11 =	simm.s32 $0x8E80;
	v4 =	vor.u32 $0x1980, v33;
	v5 =	vor.u32 $0x1B00, v33;
	v6 =	vor.u32 $0x1C80, v33  }
0x5: {  	s12 =	simm.s32 $0x0;
	s4 =	sand.u32 $0x1, s2;
	s6 =	sshll.u32 s0, $0x1;
	v7 =	vor.u32 $0x1E00, v33;
	v8 =	vor.u32 $0x1F80, v33;
	v9 =	vor.u32 $0x2100, v33  }
0x6: {  	s2 =	simm.s32 $0x0;
	s7 =	sshrl.u32 s0, $0x2;
	v10 =	vor.u32 $0x2280, v33;
	v11 =	vor.u32 $0x2400, v33;
	v12 =	vor.u32 $0x2580, v33;
	s6 =	sor.u32 s4, s6  }
0x7: {  	v13 =	vor.u32 $0x2700, v33;
	v14 =	vor.u32 $0x2880, v33;
	v15 =	vor.u32 $0x2A00, v33;
	[smem:$0x7FF] =	sst s2;
	s7 =	smul.u32 $0x120000, s7;
	s4 =	ssub.s32 $0x2, s4  }
0x8: {  	v16 =	vor.u32 $0x2B80, v33;
	v17 =	vor.u32 $0x2D00, v33;
	v18 =	vor.u32 $0xFFFEF680, v33;
	s8 =	sshll.u32 s6, $0x7;
	s6 =	smul.u32 $0xF00, s6;
	s9 =	sshrl.u32 s4, $0x1  }
0x9: {  	v19 =	vor.u32 $0xFFFEF800, v33;
	v20 =	vor.u32 $0xFFFEF980, v33;
	v21 =	vor.u32 $0xFFFEFB00, v33;
	_ =	strace $0x80000047;
	s8 =	sand.u32 $0x380, s8;
	s29 =	ssub.s32 s4, s9  }
0xa: {  	v22 =	vor.u32 $0xFFFEFC80, v33;
	v23 =	vor.u32 $0xFFFEFE00, v33;
	v24 =	vor.u32 $0xFFFEFF80, v33;
	s9 =	simm.s32 $0x80;
	s7 =	sor.u32 s7, s8;
	s3 =	sadd.s32 s6, s3  }
0xb: {  	v25 =	vor.u32 $0xFFFF0100, v33;
	v26 =	vor.u32 $0xFFFF0280, v33;
	v27 =	vor.u32 $0xFFFF0400, v33;
	s6 =	smax.u32 s29, $0x1;
	s8 =	simm.s32 $0x7800;
	s30 =	sadd.s32 $0x90000, s7  }
0xc: {  	v28 =	vor.u32 $0xFFFF0580, v33;
	v29 =	vor.u32 $0xFFFF0700, v33;
	v30 =	vor.u32 $0xFFFF0880, v33;
	s3 =	sadd.s32 $0x400, s3;
	s7 =	sshrl.u32 s7, $0x3;
	s31 =	sshrl.u32 s30, $0x3  }
0xd: {  	v31 =	vor.u32 $0xFFFF0A00, v33;
	v32 =	vor.u32 $0xFFFF0B80, v33;
	v33 =	vor.u32 $0xFFFF0D00, v33;
	s4 =	sadd.s32 s5, s7;
	s7 =	simm.s32 $0x1;
	s5 =	sadd.s32 s5, s31  }
.LBB2_1:
0xe: {  	[tilespmem:s2], [sflag:$0x1] =	stream.linear.gather [hbm4b:s3+s2], $0x7800, $0x38;
	[tilespmem:$0x1C500] =	vst v63  }
0xf: {  	_ =	swait.ge [sflag:s7], $0x7800  }
0x10: {  	[sflag:s7] =	ssyncset.done $0x0  }
0x11: {  	s13 =	simm.s32 $0x0;
	s14 =	simm.s32 $0x200;
	[sflag:s7] =	ssyncadd.s32 $0xFFFF8800  }
.LBB2_2:
0x12: {  	p0 =	sne.s32 s14, $0x53200;
	[tilespmem:s13+$0x7870] =	vst v0  }
0x13: {  	[tilespmem:s13+$0x7800] =	vst v0  }
0x14: {  	[tilespmem:s13+$0x7810] =	vst v0  }
.Ltmp0:
0x15: {  	[tilespmem:s13+$0x7820] =	vst v0;
	(pc) =	sbr.rel @p0 .LBB2_2-.Ltmp0, $4  }
0x16: {  	[tilespmem:s13+$0x7830] =	vst v0  }
0x17: {  	[tilespmem:s13+$0x7840] =	vst v0  }
0x18: {  	[tilespmem:s13+$0x7850] =	vst v0  }
0x19: {  	[tilespmem:s13+$0x7860] =	vst v0;
	s13 =	sshra.s32 s14, $0x2;
	s14 =	sadd.s32 $0x200, s14  }
0x1a: {  	[tilespmem:s13+$0x7870] =	vst v0  }
0x1b: {  	[tilespmem:s13+$0x7800] =	vst v0  }
0x1c: {  	[tilespmem:s13+$0x7810] =	vst v0  }
0x1d: {  	[tilespmem:s13+$0x7820] =	vst v0  }
0x1e: {  	[tilespmem:s13+$0x7830] =	vst v0  }
0x1f: {  	[tilespmem:s13+$0x7840] =	vst v0  }
0x20: {  	[tilespmem:s13+$0x7850] =	vst v0  }
0x21: {  	[tilespmem:s13+$0x7860] =	vst v0;
	s31 =	simm.s32 $0x0  }
0x22: {  	v34 =	vld [tilespmem:s31+$0x0];
	_ =	sdelay $0x4  }
0x23: {  	v35 =	vadd.s32 $0x1680, v34  }
0x24: {  	vm0 =	vlt.u32 v35, $0x13680  }
0x25: {  	v53 =	vadd.s32 v1, v34  }
0x26: {  	v36 =	vadd.s32 v3, v34  }
0x27: {  	v37 =	vadd.s32 v4, v34  }
0x28: {  	v38 =	vadd.s32 v5, v34  }
0x29: {  	v39 =	vadd.s32 v6, v34  }
0x2a: {  	v54 =	vadd.s32 v7, v34;
	[tilespmem:v53+s8+$0x0] =	vst.idx.msk vm0, v2  }
0x2b: {  	v55 =	vadd.s32 v8, v34;
	[tilespmem:v36+s8+$0x0] =	vst.idx.msk vm0, v2  }
0x2c: {  	v56 =	vadd.s32 v9, v34;
	[tilespmem:v37+s8+$0x0] =	vst.idx.msk vm0, v2  }
0x2d: {  	v57 =	vadd.s32 v10, v34;
	[tilespmem:v38+s8+$0x0] =	vst.idx.msk vm0, v2  }
0x2e: {  	v58 =	vadd.s32 v11, v34;
	[tilespmem:v39+s8+$0x0] =	vst.idx.msk vm0, v2  }
0x2f: {  	v59 =	vadd.s32 v12, v34;
	[tilespmem:v54+s8+$0x0] =	vst.idx.msk vm0, v2  }
0x30: {  	v60 =	vadd.s32 v13, v34;
	[tilespmem:v55+s8+$0x0] =	vst.idx.msk vm0, v2  }
0x31: {  	v61 =	vadd.s32 v14, v34;
	[tilespmem:v56+s8+$0x0] =	vst.idx.msk vm0, v2  }
0x32: {  	v62 =	vadd.s32 v15, v34;
	[tilespmem:v57+s8+$0x0] =	vst.idx.msk vm0, v2  }
0x33: {  	v63 =	vadd.s32 v16, v34;
	[tilespmem:v58+s8+$0x0] =	vst.idx.msk vm0, v2  }
0x34: {  	[tilespmem:v59+s8+$0x0] =	vst.idx.msk vm0, v2  }
0x35: {  	v34 =	vadd.s32 v17, v34;
	[tilespmem:v60+s8+$0x0] =	vst.idx.msk vm0, v2  }
0x36: {  	[tilespmem:v61+s8+$0x0] =	vst.idx.msk vm0, v2  }
0x37: {  	[tilespmem:v62+s8+$0x0] =	vst.idx.msk vm0, v2  }
0x38: {  	s13 =	simm.s32 $0x200;
	s14 =	simm.s32 $0x400;
	[tilespmem:v63+s8+$0x0] =	vst.idx.msk vm0, v2  }
.LBB2_4:
0x39: {  	p0 =	sne.s32 s14, $0x1DE00  }
0x3a: {  	s15 =	sshra.s32 s13, $0x2;
	[tilespmem:v34+s8+$0x0] =	vst.idx.msk vm0, v2;
	s13 =	smov.u32 s14;
	s14 =	sadd.s32 $0x200, s14  }
0x3b: {  	v34 =	vld [tilespmem:s15+$0x0];
	_ =	sdelay $0x4  }
0x3c: {  	v35 =	vadd.s32 $0x1680, v34  }
0x3d: {  	vm0 =	vlt.u32 v35, $0x13680  }
0x3e: {  	v35 =	vadd.s32 v1, v34  }
0x3f: {  	v36 =	vadd.s32 v3, v34  }
0x40: {  	v37 =	vadd.s32 v4, v34  }
0x41: {  	v38 =	vadd.s32 v5, v34  }
0x42: {  	v39 =	vadd.s32 v6, v34  }
0x43: {  	[tilespmem:v35+s8+$0x0] =	vst.idx.msk vm0, v2;
	v35 =	vadd.s32 v7, v34  }
0x44: {  	[tilespmem:v36+s8+$0x0] =	vst.idx.msk vm0, v2;
	v36 =	vadd.s32 v8, v34  }
0x45: {  	[tilespmem:v37+s8+$0x0] =	vst.idx.msk vm0, v2;
	v37 =	vadd.s32 v9, v34  }
0x46: {  	[tilespmem:v38+s8+$0x0] =	vst.idx.msk vm0, v2;
	v38 =	vadd.s32 v10, v34  }
0x47: {  	[tilespmem:v39+s8+$0x0] =	vst.idx.msk vm0, v2;
	v39 =	vadd.s32 v11, v34  }
0x48: {  	[tilespmem:v35+s8+$0x0] =	vst.idx.msk vm0, v2;
	v35 =	vadd.s32 v12, v34  }
0x49: {  	[tilespmem:v36+s8+$0x0] =	vst.idx.msk vm0, v2;
	v36 =	vadd.s32 v13, v34  }
0x4a: {  	[tilespmem:v37+s8+$0x0] =	vst.idx.msk vm0, v2;
	v37 =	vadd.s32 v14, v34  }
0x4b: {  	[tilespmem:v38+s8+$0x0] =	vst.idx.msk vm0, v2;
	v38 =	vadd.s32 v15, v34  }
0x4c: {  	[tilespmem:v39+s8+$0x0] =	vst.idx.msk vm0, v2;
	v39 =	vadd.s32 v16, v34  }
.Ltmp1:
0x4d: {  	v34 =	vadd.s32 v17, v34;
	[tilespmem:v35+s8+$0x0] =	vst.idx.msk vm0, v2;
	(pc) =	sbr.rel @p0 .LBB2_4-.Ltmp1, $4  }
0x4e: {  	[tilespmem:v36+s8+$0x0] =	vst.idx.msk vm0, v2  }
0x4f: {  	[tilespmem:v37+s8+$0x0] =	vst.idx.msk vm0, v2  }
0x50: {  	[tilespmem:v38+s8+$0x0] =	vst.idx.msk vm0, v2  }
0x51: {  	[tilespmem:v39+s8+$0x0] =	vst.idx.msk vm0, v2  }
0x52: {  	_ =	sdelay $0x4  }
0x53: {  	s13 =	sshra.s32 s13, $0x2;
	[tilespmem:v34+s8+$0x0] =	vst.idx.msk vm0, v2  }
0x54: {  	v34 =	vld [tilespmem:s13+$0x0];
	_ =	sdelay $0x4  }
0x55: {  	v35 =	vadd.s32 $0x1680, v34  }
0x56: {  	vm15 =	vlt.u32 v35, $0x13680  }
0x57: {  	v53 =	vadd.s32 v1, v34  }
0x58: {  	v36 =	vadd.s32 v3, v34  }
0x59: {  	v37 =	vadd.s32 v4, v34  }
0x5a: {  	v38 =	vadd.s32 v5, v34  }
0x5b: {  	v39 =	vadd.s32 v6, v34  }
0x5c: {  	v54 =	vadd.s32 v7, v34;
	[tilespmem:v53+s8+$0x0] =	vst.idx.msk vm15, v2  }
0x5d: {  	v55 =	vadd.s32 v8, v34;
	[tilespmem:v36+s8+$0x0] =	vst.idx.msk vm15, v2  }
0x5e: {  	v56 =	vadd.s32 v9, v34;
	[tilespmem:v37+s8+$0x0] =	vst.idx.msk vm15, v2  }
0x5f: {  	v57 =	vadd.s32 v10, v34;
	[tilespmem:v38+s8+$0x0] =	vst.idx.msk vm15, v2  }
0x60: {  	v58 =	vadd.s32 v11, v34;
	[tilespmem:v39+s8+$0x0] =	vst.idx.msk vm15, v2  }
0x61: {  	v59 =	vadd.s32 v12, v34;
	[tilespmem:v54+s8+$0x0] =	vst.idx.msk vm15, v2  }
0x62: {  	v60 =	vadd.s32 v13, v34;
	[tilespmem:v55+s8+$0x0] =	vst.idx.msk vm15, v2  }
0x63: {  	v61 =	vadd.s32 v14, v34;
	[tilespmem:v56+s8+$0x0] =	vst.idx.msk vm15, v2  }
0x64: {  	v62 =	vadd.s32 v15, v34;
	[tilespmem:v57+s8+$0x0] =	vst.idx.msk vm15, v2  }
0x65: {  	v63 =	vadd.s32 v16, v34;
	[tilespmem:v58+s8+$0x0] =	vst.idx.msk vm15, v2  }
0x66: {  	v34 =	vadd.s32 v17, v34;
	[tilespmem:v59+s8+$0x0] =	vst.idx.msk vm15, v2  }
0x67: {  	[tilespmem:v60+s8+$0x0] =	vst.idx.msk vm15, v2  }
0x68: {  	[tilespmem:v61+s8+$0x0] =	vst.idx.msk vm15, v2  }
0x69: {  	[tilespmem:v62+s8+$0x0] =	vst.idx.msk vm15, v2  }
0x6a: {  	[tilespmem:v63+s8+$0x0] =	vst.idx.msk vm15, v2  }
0x6b: {  	[tilespmem:v34+s8+$0x0] =	vst.idx.msk vm15, v2  }
0x6c: {  	[hbm4b:s4+s9] =	stream.strided.scatter [tilespmem:s11], [sflag:$0x1], $0x12000, s10, s9, $0x38;
	[tilespmem:$0x1C500] =	vst v63  }
0x6d: {  	_ =	swait.ge [sflag:s7], $0x12000  }
0x6e: {  	[sflag:s7] =	ssyncset.done $0x0  }
0x6f: {  	s14 =	simm.s32 $0x200;
	s13 =	simm.s32 $0x0;
	[sflag:s7] =	ssyncadd.s32 $0xFFFEE000  }
.LBB2_6:
0x70: {  	p0 =	sne.s32 s14, $0x53200;
	[tilespmem:s13+$0x7870] =	vst v0  }
0x71: {  	[tilespmem:s13+$0x7800] =	vst v0  }
0x72: {  	[tilespmem:s13+$0x7810] =	vst v0  }
.Ltmp2:
0x73: {  	[tilespmem:s13+$0x7820] =	vst v0;
	(pc) =	sbr.rel @p0 .LBB2_6-.Ltmp2, $4  }
0x74: {  	[tilespmem:s13+$0x7830] =	vst v0  }
0x75: {  	[tilespmem:s13+$0x7840] =	vst v0  }
0x76: {  	[tilespmem:s13+$0x7850] =	vst v0  }
0x77: {  	[tilespmem:s13+$0x7860] =	vst v0;
	s13 =	sshra.s32 s14, $0x2;
	s14 =	sadd.s32 $0x200, s14  }
0x78: {  	[tilespmem:s13+$0x7870] =	vst v0  }
0x79: {  	[tilespmem:s13+$0x7800] =	vst v0  }
0x7a: {  	[tilespmem:s13+$0x7810] =	vst v0  }
0x7b: {  	[tilespmem:s13+$0x7820] =	vst v0  }
0x7c: {  	[tilespmem:s13+$0x7830] =	vst v0  }
0x7d: {  	[tilespmem:s13+$0x7840] =	vst v0  }
0x7e: {  	[tilespmem:s13+$0x7850] =	vst v0  }
0x7f: {  	[tilespmem:s13+$0x7860] =	vst v0;
	s31 =	simm.s32 $0x0  }
0x80: {  	v34 =	vld [tilespmem:s31+$0x0];
	_ =	sdelay $0x4  }
0x81: {  	v35 =	vadd.s32 $0xFFFEF680, v34  }
0x82: {  	vm0 =	vlt.u32 v35, $0x13680  }
0x83: {  	v53 =	vadd.s32 v18, v34  }
0x84: {  	v36 =	vadd.s32 v19, v34  }
0x85: {  	v37 =	vadd.s32 v20, v34  }
0x86: {  	v38 =	vadd.s32 v21, v34  }
0x87: {  	v39 =	vadd.s32 v22, v34  }
0x88: {  	v54 =	vadd.s32 v23, v34;
	[tilespmem:v53+s8+$0x0] =	vst.idx.msk vm0, v2  }
0x89: {  	v55 =	vadd.s32 v24, v34;
	[tilespmem:v36+s8+$0x0] =	vst.idx.msk vm0, v2  }
0x8a: {  	v56 =	vadd.s32 v25, v34;
	[tilespmem:v37+s8+$0x0] =	vst.idx.msk vm0, v2  }
0x8b: {  	v57 =	vadd.s32 v26, v34;
	[tilespmem:v38+s8+$0x0] =	vst.idx.msk vm0, v2  }
0x8c: {  	v58 =	vadd.s32 v27, v34;
	[tilespmem:v39+s8+$0x0] =	vst.idx.msk vm0, v2  }
0x8d: {  	v59 =	vadd.s32 v28, v34;
	[tilespmem:v54+s8+$0x0] =	vst.idx.msk vm0, v2  }
0x8e: {  	v60 =	vadd.s32 v29, v34;
	[tilespmem:v55+s8+$0x0] =	vst.idx.msk vm0, v2  }
0x8f: {  	v61 =	vadd.s32 v30, v34;
	[tilespmem:v56+s8+$0x0] =	vst.idx.msk vm0, v2  }
0x90: {  	v62 =	vadd.s32 v31, v34;
	[tilespmem:v57+s8+$0x0] =	vst.idx.msk vm0, v2  }
0x91: {  	v63 =	vadd.s32 v32, v34;
	[tilespmem:v58+s8+$0x0] =	vst.idx.msk vm0, v2  }
0x92: {  	[tilespmem:v59+s8+$0x0] =	vst.idx.msk vm0, v2  }
0x93: {  	v34 =	vadd.s32 v33, v34;
	[tilespmem:v60+s8+$0x0] =	vst.idx.msk vm0, v2  }
0x94: {  	[tilespmem:v61+s8+$0x0] =	vst.idx.msk vm0, v2  }
0x95: {  	[tilespmem:v62+s8+$0x0] =	vst.idx.msk vm0, v2  }
0x96: {  	s13 =	simm.s32 $0x200;
	s14 =	simm.s32 $0x400;
	[tilespmem:v63+s8+$0x0] =	vst.idx.msk vm0, v2  }
.LBB2_8:
0x97: {  	p0 =	sne.s32 s14, $0x1DE00  }
0x98: {  	s15 =	sshra.s32 s13, $0x2;
	[tilespmem:v34+s8+$0x0] =	vst.idx.msk vm0, v2;
	s13 =	smov.u32 s14;
	s14 =	sadd.s32 $0x200, s14  }
0x99: {  	v34 =	vld [tilespmem:s15+$0x0];
	_ =	sdelay $0x4  }
0x9a: {  	v35 =	vadd.s32 $0xFFFEF680, v34  }
0x9b: {  	vm0 =	vlt.u32 v35, $0x13680  }
0x9c: {  	v35 =	vadd.s32 v18, v34  }
0x9d: {  	v36 =	vadd.s32 v19, v34  }
0x9e: {  	v37 =	vadd.s32 v20, v34  }
0x9f: {  	v38 =	vadd.s32 v21, v34  }
0xa0: {  	v39 =	vadd.s32 v22, v34  }
0xa1: {  	[tilespmem:v35+s8+$0x0] =	vst.idx.msk vm0, v2;
	v35 =	vadd.s32 v23, v34  }
0xa2: {  	[tilespmem:v36+s8+$0x0] =	vst.idx.msk vm0, v2;
	v36 =	vadd.s32 v24, v34  }
0xa3: {  	[tilespmem:v37+s8+$0x0] =	vst.idx.msk vm0, v2;
	v37 =	vadd.s32 v25, v34  }
0xa4: {  	[tilespmem:v38+s8+$0x0] =	vst.idx.msk vm0, v2;
	v38 =	vadd.s32 v26, v34  }
0xa5: {  	[tilespmem:v39+s8+$0x0] =	vst.idx.msk vm0, v2;
	v39 =	vadd.s32 v27, v34  }
0xa6: {  	[tilespmem:v35+s8+$0x0] =	vst.idx.msk vm0, v2;
	v35 =	vadd.s32 v28, v34  }
0xa7: {  	[tilespmem:v36+s8+$0x0] =	vst.idx.msk vm0, v2;
	v36 =	vadd.s32 v29, v34  }
0xa8: {  	[tilespmem:v37+s8+$0x0] =	vst.idx.msk vm0, v2;
	v37 =	vadd.s32 v30, v34  }
0xa9: {  	[tilespmem:v38+s8+$0x0] =	vst.idx.msk vm0, v2;
	v38 =	vadd.s32 v31, v34  }
0xaa: {  	[tilespmem:v39+s8+$0x0] =	vst.idx.msk vm0, v2;
	v39 =	vadd.s32 v32, v34  }
.Ltmp3:
0xab: {  	v34 =	vadd.s32 v33, v34;
	[tilespmem:v35+s8+$0x0] =	vst.idx.msk vm0, v2;
	(pc) =	sbr.rel @p0 .LBB2_8-.Ltmp3, $4  }
0xac: {  	[tilespmem:v36+s8+$0x0] =	vst.idx.msk vm0, v2  }
0xad: {  	[tilespmem:v37+s8+$0x0] =	vst.idx.msk vm0, v2  }
0xae: {  	[tilespmem:v38+s8+$0x0] =	vst.idx.msk vm0, v2  }
0xaf: {  	[tilespmem:v39+s8+$0x0] =	vst.idx.msk vm0, v2  }
0xb0: {  	_ =	sdelay $0x4  }
0xb1: {  	s13 =	sshra.s32 s13, $0x2;
	[tilespmem:v34+s8+$0x0] =	vst.idx.msk vm0, v2  }
0xb2: {  	v34 =	vld [tilespmem:s13+$0x0];
	_ =	sdelay $0x4  }
0xb3: {  	v35 =	vadd.s32 $0xFFFEF680, v34  }
0xb4: {  	vm15 =	vlt.u32 v35, $0x13680  }
0xb5: {  	v53 =	vadd.s32 v18, v34  }
0xb6: {  	v36 =	vadd.s32 v19, v34  }
0xb7: {  	v37 =	vadd.s32 v20, v34  }
0xb8: {  	v38 =	vadd.s32 v21, v34  }
0xb9: {  	v39 =	vadd.s32 v22, v34  }
0xba: {  	v54 =	vadd.s32 v23, v34;
	[tilespmem:v53+s8+$0x0] =	vst.idx.msk vm15, v2  }
0xbb: {  	v55 =	vadd.s32 v24, v34;
	[tilespmem:v36+s8+$0x0] =	vst.idx.msk vm15, v2  }
0xbc: {  	v56 =	vadd.s32 v25, v34;
	[tilespmem:v37+s8+$0x0] =	vst.idx.msk vm15, v2  }
0xbd: {  	v57 =	vadd.s32 v26, v34;
	[tilespmem:v38+s8+$0x0] =	vst.idx.msk vm15, v2  }
0xbe: {  	v58 =	vadd.s32 v27, v34;
	[tilespmem:v39+s8+$0x0] =	vst.idx.msk vm15, v2  }
0xbf: {  	v59 =	vadd.s32 v28, v34;
	[tilespmem:v54+s8+$0x0] =	vst.idx.msk vm15, v2  }
0xc0: {  	v60 =	vadd.s32 v29, v34;
	[tilespmem:v55+s8+$0x0] =	vst.idx.msk vm15, v2  }
0xc1: {  	v61 =	vadd.s32 v30, v34;
	[tilespmem:v56+s8+$0x0] =	vst.idx.msk vm15, v2  }
0xc2: {  	v62 =	vadd.s32 v31, v34;
	[tilespmem:v57+s8+$0x0] =	vst.idx.msk vm15, v2  }
0xc3: {  	v63 =	vadd.s32 v32, v34;
	[tilespmem:v58+s8+$0x0] =	vst.idx.msk vm15, v2  }
0xc4: {  	v34 =	vadd.s32 v33, v34;
	[tilespmem:v59+s8+$0x0] =	vst.idx.msk vm15, v2  }
0xc5: {  	[tilespmem:v60+s8+$0x0] =	vst.idx.msk vm15, v2  }
0xc6: {  	[tilespmem:v61+s8+$0x0] =	vst.idx.msk vm15, v2  }
0xc7: {  	s12 =	sadd.s32 $0x1, s12;
	[tilespmem:v62+s8+$0x0] =	vst.idx.msk vm15, v2  }
0xc8: {  	p0 =	sne.s32 s12, s6;
	[tilespmem:v63+s8+$0x0] =	vst.idx.msk vm15, v2  }
.Ltmp4:
0xc9: {  	[tilespmem:v34+s8+$0x0] =	vst.idx.msk vm15, v2;
	(pc) =	sbr.rel @p0 .LBB2_1-.Ltmp4, $4  }
0xca: {  	[hbm4b:s5+s9] =	stream.strided.scatter [tilespmem:s11], [sflag:$0x1], $0x12000, s10, s9, $0x38;
	[tilespmem:$0x1C500] =	vst v63  }
0xcb: {  	_ =	swait.ge [sflag:s7], $0x12000  }
0xcc: {  	[sflag:s7] =	ssyncset.done $0x0  }
0xcd: {  	[sflag:s7] =	ssyncadd.s32 $0xFFFEE000  }
0xce: {  	_ =	sfence.sel $0x180000  }
0xcf: {  	[bflag:$0x0] =	sbarrier.arrive $0xFFFF  }
0xd0: {  	p0 =	sne.s32 s0, $0x0;
	_ =	strace $0x90000047  }
0xd1: {  	s0 =	sadd.s32 @!p0 $0x100000, s1;
	[bflag:$0x2] =	sbarrier.arrive $0xFFFF  }
0xd2: {  	[sflag:s0] =	ssyncadd.tile.s32 @!p0 $0x1;
	_ =	shalt  }
.Lfunc_end2:
_tile_overlayer_lowered:
.L_overlay_start_2:
0xd3: {  	(tag) =	ssettag $0x2  }
0xd4: {  	s0 =	rddreg [dreg:$0x0];
	s2 =	stileid.u32  }
0xd5: {  	s1 =	rddreg [dreg:$0x1];
	p0 =	sne.s32 s2, $0x0  }
0xd6: {  	s3 =	rddreg [dreg:$0x2];
	[bflag:$0x3] =	sbarrier.arrive $0xFFFF;
	s2 =	simm.s32 @!p0 $0x1C01  }
0xd7: {  	[timem:s3], [sflag:s2] =	dma.local @!p0 [hbm:s0], s1  }
0xd8: {  	s0 =	simm.s32 @!p0 $0x1  }
0xd9: {  	_ =	swait.ge @!p0 [sflag:s0], s1  }
0xda: {  	s1 =	ssub.s32 @!p0 $0x0, s1;
	[sflag:s0] =	ssyncset.done @!p0 $0x0  }
0xdb: {  	[sflag:s0] =	ssyncadd.s32 @!p0 s1  }
0xdc: {  	[bflag:$0x3] =	sbarrier.arrive $0xFFFF  }
0xdd: {  	_ =	shalt  }

</sc_bundles>
